<compile_context>
chip_gen: v7x
topology: tpu7x:2x2x1
jax: 0.10.2.dev20260603
libtpu: 0.0.44.dev20260713+nightly
codegen_flags: <defaults>
</compile_context>

<pallas_src>
import functools

import jax
import jax.numpy as jnp
from jax import lax
from jax.experimental import pallas as pl
from jax.experimental.pallas import tpu as pltpu
from jax.experimental.pallas import tpu_sc as plsc

B = 4096
F = 26
V = 1000
D = 128
L = F * D

_NC = 2
_NS = 16
_NW = _NC * _NS
_ROWS = B * F
_RPW = _ROWS // _NW
_CH = 128
_NCHUNK = _RPW // _CH


def _gather_body(idx_hbm, table_hbm, out_hbm, idx_v, buf0, buf1, sem0, sem1):
    c = lax.axis_index("c")
    s = lax.axis_index("s")
    wid = s * _NC + c
    base = wid * _RPW
    pltpu.sync_copy(idx_hbm.at[wid], idx_v)
    pltpu.async_copy(table_hbm.at[idx_v.at[0]], buf0, sem0)

    def pair(g, carry):
        i0 = 2 * g
        i1 = i0 + 1
        pltpu.async_copy(table_hbm.at[idx_v.at[i1]], buf1, sem1)
        pltpu.make_async_copy(table_hbm.at[idx_v.at[i0]], buf0, sem0).wait()
        pltpu.sync_copy(buf0, out_hbm.at[pl.ds(base + i0 * _CH, _CH)])

        @pl.when(i1 + 1 < _NCHUNK)
        def _():
            pltpu.async_copy(table_hbm.at[idx_v.at[i1 + 1]], buf0, sem0)

        pltpu.make_async_copy(table_hbm.at[idx_v.at[i1]], buf1, sem1).wait()
        pltpu.sync_copy(buf1, out_hbm.at[pl.ds(base + i1 * _CH, _CH)])
        return carry

    lax.fori_loop(0, _NCHUNK // 2, pair, 0)


@functools.cache
def _gather():
    return functools.partial(
        pl.kernel,
        out_type=jax.ShapeDtypeStruct((_ROWS, D), jnp.float32),
        mesh=plsc.VectorSubcoreMesh(core_axis_name="c", subcore_axis_name="s"),
        scratch_types=[
            pltpu.VMEM((_NCHUNK, _CH), jnp.int32),
            pltpu.VMEM((_CH, D), jnp.float32),
            pltpu.VMEM((_CH, D), jnp.float32),
            pltpu.SemaphoreType.DMA,
            pltpu.SemaphoreType.DMA,
        ],
    )(_gather_body)


_BB = 256
_GRID = B // _BB


def _mlp_body(r_ref, w10, b10, w20, b20, w11, b11, w21, b21, w12, b12,
              w22, b22, wd, bd, out_ref):
    r = r_ref[...]
    for w1, b1, w2, b2 in ((w10, b10, w20, b20),
                           (w11, b11, w21, b21),
                           (w12, b12, w22, b22)):
        h = jnp.dot(r, w1[...], preferred_element_type=jnp.float32) + b1[...]
        h = jnp.maximum(h, 0.0)
        h = jnp.dot(h, w2[...], preferred_element_type=jnp.float32) + b2[...]
        r = jnp.maximum(r + h, 0.0)
    logit = jnp.dot(r, wd[...], preferred_element_type=jnp.float32) + bd[...]
    out_ref[...] = jax.nn.sigmoid(logit)


def _resident(shape):
    return pl.BlockSpec(shape, lambda i: (0,) * len(shape))


def _mlp(r, w10, b10, w20, b20, w11, b11, w21, b21, w12, b12, w22, b22,
         wd, bd):
    u = w10.shape[1]
    in_specs = [pl.BlockSpec((_BB, L), lambda i: (i, 0))]
    for _ in range(3):
        in_specs += [_resident((L, u)), _resident((1, u)),
                     _resident((u, L)), _resident((1, L))]
    in_specs += [_resident((L, 1)), _resident((1, 1))]
    return pl.pallas_call(
        _mlp_body,
        grid=(_GRID,),
        in_specs=in_specs,
        out_specs=pl.BlockSpec((_BB, 1), lambda i: (i, 0)),
        out_shape=jax.ShapeDtypeStruct((B, 1), jnp.float32),
        compiler_params=pltpu.CompilerParams(
            dimension_semantics=("arbitrary",),
        ),
    )(r, w10, b10, w20, b20, w11, b11, w21, b21, w12, b12, w22, b22, wd, bd)


def kernel(inputs, tables, W1_0, b1_0, W2_0, b2_0, W1_1, b1_1, W2_1, b2_1,
           W1_2, b1_2, W2_2, b2_2, Wd, bd):
    table_flat = tables.reshape(F * V, D)
    offs = (jnp.arange(F, dtype=jnp.int32) * V)[None, :]
    flat_idx = (inputs.astype(jnp.int32) + offs).reshape(_NW, _NCHUNK, _CH)
    r = _gather()(flat_idx, table_flat).reshape(B, L)
    return _mlp(
        r,
        W1_0, b1_0.reshape(1, -1), W2_0, b2_0.reshape(1, -1),
        W1_1, b1_1.reshape(1, -1), W2_1, b2_1.reshape(1, -1),
        W1_2, b1_2.reshape(1, -1), W2_2, b2_2.reshape(1, -1),
        Wd, bd.reshape(1, 1),
    )

# --- scband reference (transcript-rebuilt; emitter-appended) ---
"""Pipeline reference for scband-deep-crossing-30588757082804 (READ-ONLY COPY).

The authoritative reference and input builder live on the scoring server;
editing this copy changes nothing except your own understanding.
"""

import jax, jax.numpy as jnp
import numpy as np

B = 4096
F = 26
V = 1000
D = 128
HID = [256, 256, 256]
L = F * D


def setup_inputs(seed: int = 0) -> dict:
    key = jax.random.key(seed)
    ks = jax.random.split(key, 40)
    inp = {}
    inp["inputs"] = jax.random.randint(ks[0], (B, F), 0, V)
    # embedding tables stacked per field: [F, V, D], random_uniform init like keras
    inp["tables"] = jax.random.uniform(ks[1], (F, V, D), minval=-0.05, maxval=0.05, dtype=jnp.float32)
    for i, u in enumerate(HID):
        inp["W1_%d" % i] = jax.random.normal(ks[2 + 4 * i], (L, u), dtype=jnp.float32) * (1.0 / np.sqrt(L))
        inp["b1_%d" % i] = jnp.zeros((u,), jnp.float32)
        inp["W2_%d" % i] = jax.random.normal(ks[3 + 4 * i], (u, L), dtype=jnp.float32) * (1.0 / np.sqrt(u))
        inp["b2_%d" % i] = jnp.zeros((L,), jnp.float32)
    inp["Wd"] = jax.random.normal(ks[20], (L, 1), dtype=jnp.float32) * (1.0 / np.sqrt(L))
    inp["bd"] = jnp.zeros((1,), jnp.float32)
    return inp


def reference(inputs, tables, W1_0, b1_0, W2_0, b2_0, W1_1, b1_1, W2_1, b2_1, W1_2, b1_2, W2_2, b2_2, Wd, bd):
    # per-field embedding lookup, then concat along last dim
    # tables: [F, V, D], inputs: [B, F] -> emb: [B, F, D]
    field_idx = jnp.arange(tables.shape[0])[None, :]
    emb = tables[field_idx, inputs]
    r = emb.reshape(emb.shape[0], -1)  # [B, F*D] == concat of per-field embeds
    params = [(W1_0, b1_0, W2_0, b2_0), (W1_1, b1_1, W2_1, b2_1), (W1_2, b1_2, W2_2, b2_2)]
    for W1, b1, W2, b2 in params:
        h = jax.nn.relu(r @ W1 + b1)
        h = h @ W2 + b2
        r = jax.nn.relu(r + h)  # residual unit
    # res_dropout = 0.0 -> identity
    out = jax.nn.sigmoid(r @ Wd + bd)
    return out

if __name__ == "__main__":
    import jax
    _d = setup_inputs()
    print(jax.jit(kernel)(*tuple(_d.values())))

</pallas_src>

<mosaic_0001>
#map = affine_map<(d0, d1) -> (0, 0, 0)>
#map1 = affine_map<(d0, d1) -> (0, 0)>
module attributes {stable_mosaic.version = 14 : i64} {
  func.func @_gather_body(%arg0: i32, %arg1: i32, %arg2: memref<32x26x128xi32, #tpu.memory_space<hbm>>, %arg3: memref<26000x128xf32, #tpu.memory_space<hbm>>, %arg4: memref<106496x128xf32, #tpu.memory_space<hbm>>, %arg5: memref<26x128xi32, #tpu.memory_space<vmem>>, %arg6: memref<128x128xf32, #tpu.memory_space<vmem>>, %arg7: memref<128x128xf32, #tpu.memory_space<vmem>>, %arg8: memref<!tpu.dma_semaphore, #tpu.memory_space<semaphore_mem>>, %arg9: memref<!tpu.dma_semaphore, #tpu.memory_space<semaphore_mem>>) attributes {dimension_semantics = [#tpu.dimension_semantics<core_parallel>, #tpu.dimension_semantics<subcore_parallel>], iteration_bounds = array<i64: 2, 16>, scalar_prefetch = 0 : i64, scratch_operands = 5 : i64, tpu.core_type = #tpu.core_type<sc_vector_subcore>, window_params = [{transform_indices = #map}, {transform_indices = #map1}, {transform_indices = #map1}]} {
    %mul3A = arith.constant 2 : i32
    %mul3A_0 = arith.muli %arg1, %mul3A : i32
    %add3A = arith.addi %mul3A_0, %arg0 : i32
    %mul3A_1 = arith.constant 3328 : i32
    %mul3A_2 = arith.muli %add3A, %mul3A_1 : i32
    "tpu.region"() ({
      %run_scoped3A = tpu.sem_alloc : memref<!tpu.dma_semaphore, #tpu.memory_space<semaphore_mem>>
      %dma_start3A_14 = arith.constant 0 : i32
      %dma_start3A_15 = arith.constant 0 : i32
      %dma_start3A_16 = tpu.memref_slice %arg2[%add3A, %dma_start3A_14, %dma_start3A_15] : memref<32x26x128xi32, #tpu.memory_space<hbm>> -> memref<1x26x128xi32, #tpu.memory_space<hbm>>
      %dma_start3A_17 = tpu.memref_squeeze %dma_start3A_16 : memref<1x26x128xi32, #tpu.memory_space<hbm>> -> memref<26x128xi32, #tpu.memory_space<hbm>>
      %dma_start3A_18 = arith.constant 0 : i32
      %dma_start3A_19 = arith.constant 0 : i32
      %dma_start3A_20 = tpu.memref_slice %arg2[%add3A, %dma_start3A_18, %dma_start3A_19] : memref<32x26x128xi32, #tpu.memory_space<hbm>> -> memref<1x26x128xi32, #tpu.memory_space<hbm>>
      %dma_start3A_21 = tpu.memref_squeeze %dma_start3A_20 : memref<1x26x128xi32, #tpu.memory_space<hbm>> -> memref<26x128xi32, #tpu.memory_space<hbm>>
      tpu.enqueue_dma source(%dma_start3A_21 : memref<26x128xi32, #tpu.memory_space<hbm>>) target(%arg5 : memref<26x128xi32, #tpu.memory_space<vmem>>) target_semaphore(%run_scoped3A : memref<!tpu.dma_semaphore, #tpu.memory_space<semaphore_mem>>)
      %dma_wait3A = arith.constant 0 : i32
      %dma_wait3A_22 = arith.constant 0 : i32
      %dma_wait3A_23 = tpu.memref_slice %arg2[%add3A, %dma_wait3A, %dma_wait3A_22] : memref<32x26x128xi32, #tpu.memory_space<hbm>> -> memref<1x26x128xi32, #tpu.memory_space<hbm>>
      %dma_wait3A_24 = tpu.memref_squeeze %dma_wait3A_23 : memref<1x26x128xi32, #tpu.memory_space<hbm>> -> memref<26x128xi32, #tpu.memory_space<hbm>>
      %dma_wait3A_25 = arith.constant 0 : i32
      %dma_wait3A_26 = arith.constant 0 : i32
      %dma_wait3A_27 = tpu.memref_slice %arg2[%add3A, %dma_wait3A_25, %dma_wait3A_26] : memref<32x26x128xi32, #tpu.memory_space<hbm>> -> memref<1x26x128xi32, #tpu.memory_space<hbm>>
      %dma_wait3A_28 = tpu.memref_squeeze %dma_wait3A_27 : memref<1x26x128xi32, #tpu.memory_space<hbm>> -> memref<26x128xi32, #tpu.memory_space<hbm>>
      tpu.wait_dma2 semaphore(%run_scoped3A : memref<!tpu.dma_semaphore, #tpu.memory_space<semaphore_mem>>) src(%dma_wait3A_28 : memref<26x128xi32, #tpu.memory_space<hbm>>) dst(%arg5 : memref<26x128xi32, #tpu.memory_space<vmem>>)
      tpu.yield
    }) : () -> ()
    %dma_start3A = arith.constant 0 : i32
    %dma_start3A_3 = arith.constant 0 : i32
    %dma_start3A_4 = tpu.memref_slice %arg5[%dma_start3A, %dma_start3A_3] : memref<26x128xi32, #tpu.memory_space<vmem>> -> memref<1x128xi32, #tpu.memory_space<vmem>>
    %dma_start3A_5 = tpu.memref_squeeze %dma_start3A_4 : memref<1x128xi32, #tpu.memory_space<vmem>> -> memref<128xi32, #tpu.memory_space<vmem>>
    %dma_start3A_6 = arith.constant 0 : i32
    %dma_start3A_7 = arith.constant 0 : i32
    %dma_start3A_8 = tpu.memref_slice %arg3[%dma_start3A_6, %dma_start3A_7] : memref<26000x128xf32, #tpu.memory_space<hbm>> -> memref<26000x128xf32, #tpu.memory_space<hbm>>
    tpu.enqueue_indirect_dma source(%dma_start3A_8 : memref<26000x128xf32, #tpu.memory_space<hbm>>) target(%arg6 : memref<128x128xf32, #tpu.memory_space<vmem>>) offsets(%dma_start3A_5 : memref<128xi32, #tpu.memory_space<vmem>>) semaphore(%arg8 : memref<!tpu.dma_semaphore, #tpu.memory_space<semaphore_mem>>)
    %scan3A = arith.constant 0 : i32
    %scan3A_9 = arith.constant 0 : i32
    %scan3A_10 = arith.constant 13 : i32
    %scan3A_11 = arith.addi %scan3A_9, %scan3A_10 : i32
    %scan3A_12 = arith.constant 1 : i32
    scf.for %scan3A_14 = %scan3A_9 to %scan3A_11 step %scan3A_12  : i32 {
      %mul3A_15 = arith.constant 2 : i32
      %mul3A_16 = arith.muli %mul3A_15, %scan3A_14 : i32
      %add3A_17 = arith.constant 1 : i32
      %add3A_18 = arith.addi %mul3A_16, %add3A_17 : i32
      %dma_start3A_19 = arith.constant 0 : i32
      %dma_start3A_20 = tpu.memref_slice %arg5[%add3A_18, %dma_start3A_19] : memref<26x128xi32, #tpu.memory_space<vmem>> -> memref<1x128xi32, #tpu.memory_space<vmem>>
      %dma_start3A_21 = tpu.memref_squeeze %dma_start3A_20 : memref<1x128xi32, #tpu.memory_space<vmem>> -> memref<128xi32, #tpu.memory_space<vmem>>
      %dma_start3A_22 = arith.constant 0 : i32
      %dma_start3A_23 = arith.constant 0 : i32
      %dma_start3A_24 = tpu.memref_slice %arg3[%dma_start3A_22, %dma_start3A_23] : memref<26000x128xf32, #tpu.memory_space<hbm>> -> memref<26000x128xf32, #tpu.memory_space<hbm>>
      tpu.enqueue_indirect_dma source(%dma_start3A_24 : memref<26000x128xf32, #tpu.memory_space<hbm>>) target(%arg7 : memref<128x128xf32, #tpu.memory_space<vmem>>) offsets(%dma_start3A_21 : memref<128xi32, #tpu.memory_space<vmem>>) semaphore(%arg9 : memref<!tpu.dma_semaphore, #tpu.memory_space<semaphore_mem>>)
      %dma_wait3A = arith.constant 0 : i32
      %dma_wait3A_25 = tpu.memref_slice %arg5[%mul3A_16, %dma_wait3A] : memref<26x128xi32, #tpu.memory_space<vmem>> -> memref<1x128xi32, #tpu.memory_space<vmem>>
      %dma_wait3A_26 = tpu.memref_squeeze %dma_wait3A_25 : memref<1x128xi32, #tpu.memory_space<vmem>> -> memref<128xi32, #tpu.memory_space<vmem>>
      %dma_wait3A_27 = arith.constant 0 : i32
      %dma_wait3A_28 = arith.constant 0 : i32
      %dma_wait3A_29 = tpu.memref_slice %arg3[%dma_wait3A_27, %dma_wait3A_28] : memref<26000x128xf32, #tpu.memory_space<hbm>> -> memref<26000x128xf32, #tpu.memory_space<hbm>>
      tpu.wait_indirect_dma semaphore(%arg8 : memref<!tpu.dma_semaphore, #tpu.memory_space<semaphore_mem>>) src(%dma_wait3A_29 : memref<26000x128xf32, #tpu.memory_space<hbm>>) dst(%arg6 : memref<128x128xf32, #tpu.memory_space<vmem>>)
      %mul3A_30 = arith.constant 128 : i32
      %mul3A_31 = arith.muli %mul3A_16, %mul3A_30 : i32
      %add3A_32 = arith.addi %mul3A_2, %mul3A_31 : i32
      "tpu.region"() ({
        %run_scoped3A = tpu.sem_alloc : memref<!tpu.dma_semaphore, #tpu.memory_space<semaphore_mem>>
        %dma_start3A_46 = arith.constant 0 : i32
        %dma_start3A_47 = tpu.memref_slice %arg4[%add3A_32, %dma_start3A_46] : memref<106496x128xf32, #tpu.memory_space<hbm>> -> memref<128x128xf32, #tpu.memory_space<hbm>>
        %dma_start3A_48 = arith.constant 0 : i32
        %dma_start3A_49 = tpu.memref_slice %arg4[%add3A_32, %dma_start3A_48] : memref<106496x128xf32, #tpu.memory_space<hbm>> -> memref<128x128xf32, #tpu.memory_space<hbm>>
        tpu.enqueue_dma source(%arg6 : memref<128x128xf32, #tpu.memory_space<vmem>>) target(%dma_start3A_49 : memref<128x128xf32, #tpu.memory_space<hbm>>) target_semaphore(%run_scoped3A : memref<!tpu.dma_semaphore, #tpu.memory_space<semaphore_mem>>)
        %dma_wait3A_50 = arith.constant 0 : i32
        %dma_wait3A_51 = tpu.memref_slice %arg4[%add3A_32, %dma_wait3A_50] : memref<106496x128xf32, #tpu.memory_space<hbm>> -> memref<128x128xf32, #tpu.memory_space<hbm>>
        %dma_wait3A_52 = arith.constant 0 : i32
        %dma_wait3A_53 = tpu.memref_slice %arg4[%add3A_32, %dma_wait3A_52] : memref<106496x128xf32, #tpu.memory_space<hbm>> -> memref<128x128xf32, #tpu.memory_space<hbm>>
        tpu.wait_dma2 semaphore(%run_scoped3A : memref<!tpu.dma_semaphore, #tpu.memory_space<semaphore_mem>>) src(%arg6 : memref<128x128xf32, #tpu.memory_space<vmem>>) dst(%dma_wait3A_53 : memref<128x128xf32, #tpu.memory_space<hbm>>)
        tpu.yield
      }) : () -> ()
      %add3A_33 = arith.constant 1 : i32
      %add3A_34 = arith.addi %add3A_18, %add3A_33 : i32
      %lt3A = arith.constant 26 : i32
      %lt3A_35 = arith.cmpi slt, %add3A_34, %lt3A : i32
      %convert_element_type3A = arith.extui %lt3A_35 : i1 to i32
      %cond3A = arith.constant 0 : i32
      %cond3A_36 = arith.cmpi ne, %convert_element_type3A, %cond3A : i32
      scf.if %cond3A_36 {
        %add3A_46 = arith.constant 1 : i32
        %add3A_47 = arith.addi %add3A_18, %add3A_46 : i32
        %dma_start3A_48 = arith.constant 0 : i32
        %dma_start3A_49 = tpu.memref_slice %arg5[%add3A_47, %dma_start3A_48] : memref<26x128xi32, #tpu.memory_space<vmem>> -> memref<1x128xi32, #tpu.memory_space<vmem>>
        %dma_start3A_50 = tpu.memref_squeeze %dma_start3A_49 : memref<1x128xi32, #tpu.memory_space<vmem>> -> memref<128xi32, #tpu.memory_space<vmem>>
        %dma_start3A_51 = arith.constant 0 : i32
        %dma_start3A_52 = arith.constant 0 : i32
        %dma_start3A_53 = tpu.memref_slice %arg3[%dma_start3A_51, %dma_start3A_52] : memref<26000x128xf32, #tpu.memory_space<hbm>> -> memref<26000x128xf32, #tpu.memory_space<hbm>>
        tpu.enqueue_indirect_dma source(%dma_start3A_53 : memref<26000x128xf32, #tpu.memory_space<hbm>>) target(%arg6 : memref<128x128xf32, #tpu.memory_space<vmem>>) offsets(%dma_start3A_50 : memref<128xi32, #tpu.memory_space<vmem>>) semaphore(%arg8 : memref<!tpu.dma_semaphore, #tpu.memory_space<semaphore_mem>>)
      } else {
      }
      %dma_wait3A_37 = arith.constant 0 : i32
      %dma_wait3A_38 = tpu.memref_slice %arg5[%add3A_18, %dma_wait3A_37] : memref<26x128xi32, #tpu.memory_space<vmem>> -> memref<1x128xi32, #tpu.memory_space<vmem>>
      %dma_wait3A_39 = tpu.memref_squeeze %dma_wait3A_38 : memref<1x128xi32, #tpu.memory_space<vmem>> -> memref<128xi32, #tpu.memory_space<vmem>>
      %dma_wait3A_40 = arith.constant 0 : i32
      %dma_wait3A_41 = arith.constant 0 : i32
      %dma_wait3A_42 = tpu.memref_slice %arg3[%dma_wait3A_40, %dma_wait3A_41] : memref<26000x128xf32, #tpu.memory_space<hbm>> -> memref<26000x128xf32, #tpu.memory_space<hbm>>
      tpu.wait_indirect_dma semaphore(%arg9 : memref<!tpu.dma_semaphore, #tpu.memory_space<semaphore_mem>>) src(%dma_wait3A_42 : memref<26000x128xf32, #tpu.memory_space<hbm>>) dst(%arg7 : memref<128x128xf32, #tpu.memory_space<vmem>>)
      %mul3A_43 = arith.constant 128 : i32
      %mul3A_44 = arith.muli %add3A_18, %mul3A_43 : i32
      %add3A_45 = arith.addi %mul3A_2, %mul3A_44 : i32
      "tpu.region"() ({
        %run_scoped3A = tpu.sem_alloc : memref<!tpu.dma_semaphore, #tpu.memory_space<semaphore_mem>>
        %dma_start3A_46 = arith.constant 0 : i32
        %dma_start3A_47 = tpu.memref_slice %arg4[%add3A_45, %dma_start3A_46] : memref<106496x128xf32, #tpu.memory_space<hbm>> -> memref<128x128xf32, #tpu.memory_space<hbm>>
        %dma_start3A_48 = arith.constant 0 : i32
        %dma_start3A_49 = tpu.memref_slice %arg4[%add3A_45, %dma_start3A_48] : memref<106496x128xf32, #tpu.memory_space<hbm>> -> memref<128x128xf32, #tpu.memory_space<hbm>>
        tpu.enqueue_dma source(%arg7 : memref<128x128xf32, #tpu.memory_space<vmem>>) target(%dma_start3A_49 : memref<128x128xf32, #tpu.memory_space<hbm>>) target_semaphore(%run_scoped3A : memref<!tpu.dma_semaphore, #tpu.memory_space<semaphore_mem>>)
        %dma_wait3A_50 = arith.constant 0 : i32
        %dma_wait3A_51 = tpu.memref_slice %arg4[%add3A_45, %dma_wait3A_50] : memref<106496x128xf32, #tpu.memory_space<hbm>> -> memref<128x128xf32, #tpu.memory_space<hbm>>
        %dma_wait3A_52 = arith.constant 0 : i32
        %dma_wait3A_53 = tpu.memref_slice %arg4[%add3A_45, %dma_wait3A_52] : memref<106496x128xf32, #tpu.memory_space<hbm>> -> memref<128x128xf32, #tpu.memory_space<hbm>>
        tpu.wait_dma2 semaphore(%run_scoped3A : memref<!tpu.dma_semaphore, #tpu.memory_space<semaphore_mem>>) src(%arg7 : memref<128x128xf32, #tpu.memory_space<vmem>>) dst(%dma_wait3A_53 : memref<128x128xf32, #tpu.memory_space<hbm>>)
        tpu.yield
      }) : () -> ()
    }
    %scan3A_13 = arith.constant 13 : i32
    return
  }
}

module attributes {stable_mosaic.version = 14 : i64} {
  func.func @_mlp_body(%arg0: i32, %arg1: memref<256x3328xf32, #tpu.memory_space<vmem>>, %arg2: memref<3328x256xf32, #tpu.memory_space<vmem>>, %arg3: memref<1x256xf32, #tpu.memory_space<vmem>>, %arg4: memref<256x3328xf32, #tpu.memory_space<vmem>>, %arg5: memref<1x3328xf32, #tpu.memory_space<vmem>>, %arg6: memref<3328x256xf32, #tpu.memory_space<vmem>>, %arg7: memref<1x256xf32, #tpu.memory_space<vmem>>, %arg8: memref<256x3328xf32, #tpu.memory_space<vmem>>, %arg9: memref<1x3328xf32, #tpu.memory_space<vmem>>, %arg10: memref<3328x256xf32, #tpu.memory_space<vmem>>, %arg11: memref<1x256xf32, #tpu.memory_space<vmem>>, %arg12: memref<256x3328xf32, #tpu.memory_space<vmem>>, %arg13: memref<1x3328xf32, #tpu.memory_space<vmem>>, %arg14: memref<3328x1xf32, #tpu.memory_space<vmem>>, %arg15: memref<1x1xf32, #tpu.memory_space<vmem>>, %arg16: memref<256x1xf32, #tpu.memory_space<vmem>>) attributes {dimension_semantics = [#tpu.dimension_semantics<arbitrary>], iteration_bounds = array<i64: 16>, scalar_prefetch = 0 : i64, scratch_operands = 0 : i64, tpu.core_type = #tpu.core_type<tc>, window_params = [{transform_indices = @transform_0, window_bounds = array<i64: 256, 3328>}, {pipeline_mode = #tpu.pipeline_mode<synchronous>, transform_indices = @transform_1, window_bounds = array<i64: 3328, 256>}, {pipeline_mode = #tpu.pipeline_mode<synchronous>, transform_indices = @transform_2, window_bounds = array<i64: 1, 256>}, {pipeline_mode = #tpu.pipeline_mode<synchronous>, transform_indices = @transform_3, window_bounds = array<i64: 256, 3328>}, {pipeline_mode = #tpu.pipeline_mode<synchronous>, transform_indices = @transform_4, window_bounds = array<i64: 1, 3328>}, {pipeline_mode = #tpu.pipeline_mode<synchronous>, transform_indices = @transform_5, window_bounds = array<i64: 3328, 256>}, {pipeline_mode = #tpu.pipeline_mode<synchronous>, transform_indices = @transform_6, window_bounds = array<i64: 1, 256>}, {pipeline_mode = #tpu.pipeline_mode<synchronous>, transform_indices = @transform_7, window_bounds = array<i64: 256, 3328>}, {pipeline_mode = #tpu.pipeline_mode<synchronous>, transform_indices = @transform_8, window_bounds = array<i64: 1, 3328>}, {pipeline_mode = #tpu.pipeline_mode<synchronous>, transform_indices = @transform_9, window_bounds = array<i64: 3328, 256>}, {pipeline_mode = #tpu.pipeline_mode<synchronous>, transform_indices = @transform_10, window_bounds = array<i64: 1, 256>}, {pipeline_mode = #tpu.pipeline_mode<synchronous>, transform_indices = @transform_11, window_bounds = array<i64: 256, 3328>}, {pipeline_mode = #tpu.pipeline_mode<synchronous>, transform_indices = @transform_12, window_bounds = array<i64: 1, 3328>}, {pipeline_mode = #tpu.pipeline_mode<synchronous>, transform_indices = @transform_13, window_bounds = array<i64: 3328, 1>}, {pipeline_mode = #tpu.pipeline_mode<synchronous>, transform_indices = @transform_14, window_bounds = array<i64: 1, 1>}, {transform_indices = @transform_15, window_bounds = array<i64: 256, 1>}]} {
    %get3A = arith.constant 0 : index
    %get3A_0 = arith.constant 0 : index
    %get3A_1 = vector.load %arg1[%get3A, %get3A_0] : memref<256x3328xf32, #tpu.memory_space<vmem>>, vector<256x3328xf32>
    %get3A_2 = arith.constant 0 : index
    %get3A_3 = arith.constant 0 : index
    %get3A_4 = vector.load %arg2[%get3A_2, %get3A_3] : memref<3328x256xf32, #tpu.memory_space<vmem>>, vector<3328x256xf32>
    %dot_general3A = arith.constant dense<0.000000e+00> : vector<256x256xf32>
    %dot_general3A_5 = tpu.matmul %get3A_1, %get3A_4, %dot_general3A {dimension_numbers = #tpu.dot_dimension_numbers<[1], [0], [0], [1], [0, 0, 1, 1], [], []>, transpose_lhs_hint = false} : vector<256x3328xf32>, vector<3328x256xf32>, vector<256x256xf32> -> vector<256x256xf32>
    %get3A_6 = arith.constant 0 : index
    %get3A_7 = arith.constant 0 : index
    %get3A_8 = vector.load %arg3[%get3A_6, %get3A_7] : memref<1x256xf32, #tpu.memory_space<vmem>>, vector<1x256xf32>
    %add3A = vector.broadcast %get3A_8 : vector<1x256xf32> to vector<256x256xf32>
    %add3A_9 = arith.addf %dot_general3A_5, %add3A : vector<256x256xf32>
    %max3A = arith.constant 0.000000e+00 : f32
    %max3A_10 = vector.broadcast %max3A : f32 to vector<256x256xf32>
    %max3A_11 = arith.maximumf %add3A_9, %max3A_10 : vector<256x256xf32>
    %get3A_12 = arith.constant 0 : index
    %get3A_13 = arith.constant 0 : index
    %get3A_14 = vector.load %arg4[%get3A_12, %get3A_13] : memref<256x3328xf32, #tpu.memory_space<vmem>>, vector<256x3328xf32>
    %dot_general3A_15 = arith.constant dense<0.000000e+00> : vector<256x3328xf32>
    %dot_general3A_16 = tpu.matmul %max3A_11, %get3A_14, %dot_general3A_15 {dimension_numbers = #tpu.dot_dimension_numbers<[1], [0], [0], [1], [0, 0, 1, 1], [], []>, transpose_lhs_hint = false} : vector<256x256xf32>, vector<256x3328xf32>, vector<256x3328xf32> -> vector<256x3328xf32>
    %get3A_17 = arith.constant 0 : index
    %get3A_18 = arith.constant 0 : index
    %get3A_19 = vector.load %arg5[%get3A_17, %get3A_18] : memref<1x3328xf32, #tpu.memory_space<vmem>>, vector<1x3328xf32>
    %add3A_20 = vector.broadcast %get3A_19 : vector<1x3328xf32> to vector<256x3328xf32>
    %add3A_21 = arith.addf %dot_general3A_16, %add3A_20 : vector<256x3328xf32>
    %add3A_22 = arith.addf %get3A_1, %add3A_21 : vector<256x3328xf32>
    %max3A_23 = arith.constant 0.000000e+00 : f32
    %max3A_24 = vector.broadcast %max3A_23 : f32 to vector<256x3328xf32>
    %max3A_25 = arith.maximumf %add3A_22, %max3A_24 : vector<256x3328xf32>
    %get3A_26 = arith.constant 0 : index
    %get3A_27 = arith.constant 0 : index
    %get3A_28 = vector.load %arg6[%get3A_26, %get3A_27] : memref<3328x256xf32, #tpu.memory_space<vmem>>, vector<3328x256xf32>
    %dot_general3A_29 = arith.constant dense<0.000000e+00> : vector<256x256xf32>
    %dot_general3A_30 = tpu.matmul %max3A_25, %get3A_28, %dot_general3A_29 {dimension_numbers = #tpu.dot_dimension_numbers<[1], [0], [0], [1], [0, 0, 1, 1], [], []>, transpose_lhs_hint = false} : vector<256x3328xf32>, vector<3328x256xf32>, vector<256x256xf32> -> vector<256x256xf32>
    %get3A_31 = arith.constant 0 : index
    %get3A_32 = arith.constant 0 : index
    %get3A_33 = vector.load %arg7[%get3A_31, %get3A_32] : memref<1x256xf32, #tpu.memory_space<vmem>>, vector<1x256xf32>
    %add3A_34 = vector.broadcast %get3A_33 : vector<1x256xf32> to vector<256x256xf32>
    %add3A_35 = arith.addf %dot_general3A_30, %add3A_34 : vector<256x256xf32>
    %max3A_36 = arith.constant 0.000000e+00 : f32
    %max3A_37 = vector.broadcast %max3A_36 : f32 to vector<256x256xf32>
    %max3A_38 = arith.maximumf %add3A_35, %max3A_37 : vector<256x256xf32>
    %get3A_39 = arith.constant 0 : index
    %get3A_40 = arith.constant 0 : index
    %get3A_41 = vector.load %arg8[%get3A_39, %get3A_40] : memref<256x3328xf32, #tpu.memory_space<vmem>>, vector<256x3328xf32>
    %dot_general3A_42 = arith.constant dense<0.000000e+00> : vector<256x3328xf32>
    %dot_general3A_43 = tpu.matmul %max3A_38, %get3A_41, %dot_general3A_42 {dimension_numbers = #tpu.dot_dimension_numbers<[1], [0], [0], [1], [0, 0, 1, 1], [], []>, transpose_lhs_hint = false} : vector<256x256xf32>, vector<256x3328xf32>, vector<256x3328xf32> -> vector<256x3328xf32>
    %get3A_44 = arith.constant 0 : index
    %get3A_45 = arith.constant 0 : index
    %get3A_46 = vector.load %arg9[%get3A_44, %get3A_45] : memref<1x3328xf32, #tpu.memory_space<vmem>>, vector<1x3328xf32>
    %add3A_47 = vector.broadcast %get3A_46 : vector<1x3328xf32> to vector<256x3328xf32>
    %add3A_48 = arith.addf %dot_general3A_43, %add3A_47 : vector<256x3328xf32>
    %add3A_49 = arith.addf %max3A_25, %add3A_48 : vector<256x3328xf32>
    %max3A_50 = arith.constant 0.000000e+00 : f32
    %max3A_51 = vector.broadcast %max3A_50 : f32 to vector<256x3328xf32>
    %max3A_52 = arith.maximumf %add3A_49, %max3A_51 : vector<256x3328xf32>
    %get3A_53 = arith.constant 0 : index
    %get3A_54 = arith.constant 0 : index
    %get3A_55 = vector.load %arg10[%get3A_53, %get3A_54] : memref<3328x256xf32, #tpu.memory_space<vmem>>, vector<3328x256xf32>
    %dot_general3A_56 = arith.constant dense<0.000000e+00> : vector<256x256xf32>
    %dot_general3A_57 = tpu.matmul %max3A_52, %get3A_55, %dot_general3A_56 {dimension_numbers = #tpu.dot_dimension_numbers<[1], [0], [0], [1], [0, 0, 1, 1], [], []>, transpose_lhs_hint = false} : vector<256x3328xf32>, vector<3328x256xf32>, vector<256x256xf32> -> vector<256x256xf32>
    %get3A_58 = arith.constant 0 : index
    %get3A_59 = arith.constant 0 : index
    %get3A_60 = vector.load %arg11[%get3A_58, %get3A_59] : memref<1x256xf32, #tpu.memory_space<vmem>>, vector<1x256xf32>
    %add3A_61 = vector.broadcast %get3A_60 : vector<1x256xf32> to vector<256x256xf32>
    %add3A_62 = arith.addf %dot_general3A_57, %add3A_61 : vector<256x256xf32>
    %max3A_63 = arith.constant 0.000000e+00 : f32
    %max3A_64 = vector.broadcast %max3A_63 : f32 to vector<256x256xf32>
    %max3A_65 = arith.maximumf %add3A_62, %max3A_64 : vector<256x256xf32>
    %get3A_66 = arith.constant 0 : index
    %get3A_67 = arith.constant 0 : index
    %get3A_68 = vector.load %arg12[%get3A_66, %get3A_67] : memref<256x3328xf32, #tpu.memory_space<vmem>>, vector<256x3328xf32>
    %dot_general3A_69 = arith.constant dense<0.000000e+00> : vector<256x3328xf32>
    %dot_general3A_70 = tpu.matmul %max3A_65, %get3A_68, %dot_general3A_69 {dimension_numbers = #tpu.dot_dimension_numbers<[1], [0], [0], [1], [0, 0, 1, 1], [], []>, transpose_lhs_hint = false} : vector<256x256xf32>, vector<256x3328xf32>, vector<256x3328xf32> -> vector<256x3328xf32>
    %get3A_71 = arith.constant 0 : index
    %get3A_72 = arith.constant 0 : index
    %get3A_73 = vector.load %arg13[%get3A_71, %get3A_72] : memref<1x3328xf32, #tpu.memory_space<vmem>>, vector<1x3328xf32>
    %add3A_74 = vector.broadcast %get3A_73 : vector<1x3328xf32> to vector<256x3328xf32>
    %add3A_75 = arith.addf %dot_general3A_70, %add3A_74 : vector<256x3328xf32>
    %add3A_76 = arith.addf %max3A_52, %add3A_75 : vector<256x3328xf32>
    %max3A_77 = arith.constant 0.000000e+00 : f32
    %max3A_78 = vector.broadcast %max3A_77 : f32 to vector<256x3328xf32>
    %max3A_79 = arith.maximumf %add3A_76, %max3A_78 : vector<256x3328xf32>
    %get3A_80 = arith.constant 0 : index
    %get3A_81 = arith.constant 0 : index
    %get3A_82 = vector.load %arg14[%get3A_80, %get3A_81] : memref<3328x1xf32, #tpu.memory_space<vmem>>, vector<3328x1xf32>
    %dot_general3A_83 = arith.constant dense<0.000000e+00> : vector<256x1xf32>
    %dot_general3A_84 = tpu.matmul %max3A_79, %get3A_82, %dot_general3A_83 {dimension_numbers = #tpu.dot_dimension_numbers<[1], [0], [0], [1], [0, 0, 1, 1], [], []>, transpose_lhs_hint = false} : vector<256x3328xf32>, vector<3328x1xf32>, vector<256x1xf32> -> vector<256x1xf32>
    %get3A_85 = arith.constant 0 : index
    %get3A_86 = arith.constant 0 : index
    %get3A_87 = vector.load %arg15[%get3A_85, %get3A_86] : memref<1x1xf32, #tpu.memory_space<vmem>>, vector<1x1xf32>
    %add3A_88 = vector.broadcast %get3A_87 : vector<1x1xf32> to vector<256x1xf32>
    %add3A_89 = arith.addf %dot_general3A_84, %add3A_88 : vector<256x1xf32>
    %logistic3A = arith.negf %add3A_89 : vector<256x1xf32>
    %logistic3A_90 = math.exp %logistic3A : vector<256x1xf32>
    %logistic3A_91 = arith.constant 1.000000e+00 : f32
    %logistic3A_92 = vector.broadcast %logistic3A_91 : f32 to vector<256x1xf32>
    %logistic3A_93 = arith.addf %logistic3A_92, %logistic3A_90 : vector<256x1xf32>
    %logistic3A_94 = arith.divf %logistic3A_92, %logistic3A_93 : vector<256x1xf32>
    %swap3A = arith.constant 0 : index
    %swap3A_95 = arith.constant 0 : index
    %swap3A_96 = vector.load %arg16[%swap3A, %swap3A_95] : memref<256x1xf32, #tpu.memory_space<vmem>>, vector<256x1xf32>
    tpu.vector_store %arg16[%swap3A, %swap3A_95], %logistic3A_94 {strides = array<i32>} : memref<256x1xf32, #tpu.memory_space<vmem>>, vector<256x1xf32>,
    return
  }
  func.func @transform_0(%arg0: i32) -> (i32, i32) {
    %c0_i32 = arith.constant 0 : i32
    %c0_i32_0 = arith.constant 0 : i32
    return %arg0, %c0_i32 : i32, i32
  }
  func.func @transform_1(%arg0: i32) -> (i32, i32) {
    %c0_i32 = arith.constant 0 : i32
    %c0_i32_0 = arith.constant 0 : i32
    %c0_i32_1 = arith.constant 0 : i32
    return %c0_i32, %c0_i32_0 : i32, i32
  }
  func.func @transform_2(%arg0: i32) -> (i32, i32) {
    %c0_i32 = arith.constant 0 : i32
    %c0_i32_0 = arith.constant 0 : i32
    %c0_i32_1 = arith.constant 0 : i32
    return %c0_i32, %c0_i32_0 : i32, i32
  }
  func.func @transform_3(%arg0: i32) -> (i32, i32) {
    %c0_i32 = arith.constant 0 : i32
    %c0_i32_0 = arith.constant 0 : i32
    %c0_i32_1 = arith.constant 0 : i32
    return %c0_i32, %c0_i32_0 : i32, i32
  }
  func.func @transform_4(%arg0: i32) -> (i32, i32) {
    %c0_i32 = arith.constant 0 : i32
    %c0_i32_0 = arith.constant 0 : i32
    %c0_i32_1 = arith.constant 0 : i32
    return %c0_i32, %c0_i32_0 : i32, i32
  }
  func.func @transform_5(%arg0: i32) -> (i32, i32) {
    %c0_i32 = arith.constant 0 : i32
    %c0_i32_0 = arith.constant 0 : i32
    %c0_i32_1 = arith.constant 0 : i32
    return %c0_i32, %c0_i32_0 : i32, i32
  }
  func.func @transform_6(%arg0: i32) -> (i32, i32) {
    %c0_i32 = arith.constant 0 : i32
    %c0_i32_0 = arith.constant 0 : i32
    %c0_i32_1 = arith.constant 0 : i32
    return %c0_i32, %c0_i32_0 : i32, i32
  }
  func.func @transform_7(%arg0: i32) -> (i32, i32) {
    %c0_i32 = arith.constant 0 : i32
    %c0_i32_0 = arith.constant 0 : i32
    %c0_i32_1 = arith.constant 0 : i32
    return %c0_i32, %c0_i32_0 : i32, i32
  }
  func.func @transform_8(%arg0: i32) -> (i32, i32) {
    %c0_i32 = arith.constant 0 : i32
    %c0_i32_0 = arith.constant 0 : i32
    %c0_i32_1 = arith.constant 0 : i32
    return %c0_i32, %c0_i32_0 : i32, i32
  }
  func.func @transform_9(%arg0: i32) -> (i32, i32) {
    %c0_i32 = arith.constant 0 : i32
    %c0_i32_0 = arith.constant 0 : i32
    %c0_i32_1 = arith.constant 0 : i32
    return %c0_i32, %c0_i32_0 : i32, i32
  }
  func.func @transform_10(%arg0: i32) -> (i32, i32) {
    %c0_i32 = arith.constant 0 : i32
    %c0_i32_0 = arith.constant 0 : i32
    %c0_i32_1 = arith.constant 0 : i32
    return %c0_i32, %c0_i32_0 : i32, i32
  }
  func.func @transform_11(%arg0: i32) -> (i32, i32) {
    %c0_i32 = arith.constant 0 : i32
    %c0_i32_0 = arith.constant 0 : i32
    %c0_i32_1 = arith.constant 0 : i32
    return %c0_i32, %c0_i32_0 : i32, i32
  }
  func.func @transform_12(%arg0: i32) -> (i32, i32) {
    %c0_i32 = arith.constant 0 : i32
    %c0_i32_0 = arith.constant 0 : i32
    %c0_i32_1 = arith.constant 0 : i32
    return %c0_i32, %c0_i32_0 : i32, i32
  }
  func.func @transform_13(%arg0: i32) -> (i32, i32) {
    %c0_i32 = arith.constant 0 : i32
    %c0_i32_0 = arith.constant 0 : i32
    %c0_i32_1 = arith.constant 0 : i32
    return %c0_i32, %c0_i32_0 : i32, i32
  }
  func.func @transform_14(%arg0: i32) -> (i32, i32) {
    %c0_i32 = arith.constant 0 : i32
    %c0_i32_0 = arith.constant 0 : i32
    %c0_i32_1 = arith.constant 0 : i32
    return %c0_i32, %c0_i32_0 : i32, i32
  }
  func.func @transform_15(%arg0: i32) -> (i32, i32) {
    %c0_i32 = arith.constant 0 : i32
    %c0_i32_0 = arith.constant 0 : i32
    return %arg0, %c0_i32 : i32, i32
  }
}

</mosaic_0001>

<sc_bundles>
// kernel: kernel.4.cloned.1.call-start
scs
__scs_entry_jumppad:
0x0: {  	(pc) =	sbr.rel $0x88, $3  }
0x1: {  	(tag) =	ssettag $0x0;
	lr =	simm.s32 $0x1  }
0x2: {  	[smem:$0x3F91] =	sst lr;
	_ =	strace $0xD0000000  }
0x3: {  	_ = 	snop  }
0x4: {  	_ = 	snop  }
0x5: {  	_ = 	snop  }
0x6: {  	_ = 	snop  }
0x7: {  	_ = 	snop  }
__scs_overlays_trampoline_lowered:
0x8: {  	[smem:$0x3FA0] =	sst s0  }
0x9: {  	[smem:$0x3FA1] =	sst s1  }
0xa: {  	[smem:$0x3FA2] =	sst s2  }
0xb: {  	[smem:$0x3FA3] =	sst s3  }
0xc: {  	[smem:$0x3FA4] =	sst s4  }
0xd: {  	[smem:$0x3FA5] =	sst s5  }
0xe: {  	[smem:$0x3FA6] =	sst s6  }
0xf: {  	[smem:$0x3FA7] =	sst s7  }
0x10: {  	[smem:$0x3FA8] =	sst s8  }
0x11: {  	[smem:$0x3FA9] =	sst s9;
	s0 =	simm.s32 @!p0 $0x0  }
0x12: {  	s1 =	sld [smem:$0x3F8F];
	s0 =	simm.s32 @p0 $0x1  }
0x13: {  	[smem:$0x3FAA] =	sst s0;
	s0 =	simm.s32 @!p1 $0x0  }
0x14: {  	s2 =	sld [smem:$0x3F8E];
	s0 =	simm.s32 @p1 $0x1  }
0x15: {  	[smem:$0x3FAB] =	sst s0;
	s0 =	simm.s32 @!p2 $0x0  }
0x16: {  	s3 =	sld [smem:$0x3FDB];
	s0 =	simm.s32 @p2 $0x1  }
0x17: {  	s4 =	simm.s32 $0x1BF5;
	[smem:$0x3FAD] =	sst s0  }
0x18: {  	s0 =	sld [smem:$0x3F90];
	_ =	swait.ge [sflag:s4], $0x0  }
0x19: {  	s7 =	sld [smem:$0x3F91]  }
0x1a: {  	s8 =	sadd.s32 $0xFFFFE003, lr  }
0x1b: {  	s9 =	sadd.s32 $0xFFFFFEF7, lr;
	s5 =	simm.s32 $0xFFFFFFFF;
	p2 =	slt.u32 s8, $0xFFFFF086  }
0x1c: {  	p1 =	slt.u32 s9, $0xF7A;
	s5 =	simm.s32 @!p2 $0x0  }
0x1d: {  	s5 =	simm.s32 @p1 $0x1;
	p0 =	seq.s32 s7, s2  }
0x1e: {  	s7 =	smul.u32 @!p0 $0xF7A, s2;
	p2 =	seq.s32 @!p0 s5, $0x0  }
0x1f: {  	s9 =	smul.u32 $0xF7A, s1;
	s8 =	simm.s32 @!p0 $0x1BF5;
	p2 =	por !p2, p0  }
0x20: {  	[sflag:s8] =	ssyncset.s32 @!p0 $0xFFFFF086;
	s6 =	sadd.s32 @!p0 s3, s7;
	s7 =	simm.s32 @!p0 $0x108  }
0x21: {  	s3 =	sadd.s32 s3, s9;
	s6 =	sadd.s32 @!p0 $0x88, s6;
	s7 =	simm.s32 @p2 $0x1082  }
0x22: {  	[simem:s7], [sflag:s8] =	dma.local @!p0 [hbm:s6], $0xF7A  }
0x23: {  	s9 =	sor.u32 $0xD0000000, s2;
	s6 =	simm.s32 $0x108;
	_ =	swait.ge @!p0 [sflag:s8], $0x0  }
0x24: {  	s3 =	sadd.s32 $0x88, s3;
	s6 =	simm.s32 @!p1 $0x1082;
	[sflag:s4] =	ssyncset.s32 $0xFFFFF086  }
0x25: {  	[simem:s6], [sflag:s4] =	dma.local [hbm:s3], $0xF7A  }
0x26: {  	[smem:$0x3F91] =	sst s1;
	(tag) =	ssettag s2;
	_ =	strace s9  }
0x27: {  	s1 =	sld [smem:$0x3FA1]  }
0x28: {  	s2 =	sld [smem:$0x3FA2]  }
0x29: {  	s4 =	sld [smem:$0x3FA4]  }
0x2a: {  	p0 =	seq.s32 s5, $0x0;
	s5 =	sld [smem:$0x3FA5]  }
0x2b: {  	s6 =	sld [smem:$0x3FA6]  }
0x2c: {  	s7 =	sld [smem:$0x3FA7]  }
0x2d: {  	s3 =	simm.s32 $0x108;
	s8 =	sld [smem:$0x3FA8]  }
0x2e: {  	s3 =	simm.s32 @!p0 $0x1082;
	s9 =	sld [smem:$0x3FA9]  }
0x2f: {  	lr =	sadd.s32 s0, s3;
	s0 =	sld [smem:$0x3FA0]  }
0x30: {  	s3 =	sld [smem:$0x3FA3]  }
0x31: {  	[smem:$0x3FAC] =	sst s10  }
0x32: {  	s10 =	sld [smem:$0x3FAA];
	_ =	sdelay $0x3  }
0x33: {  	p0 =	seq.s32 s10, $0x1;
	s10 =	sld [smem:$0x3FAC];
	_ =	sdelay $0x3  }
0x34: {  	[smem:$0x3FAC] =	sst s10  }
0x35: {  	s10 =	sld [smem:$0x3FAB];
	_ =	sdelay $0x3  }
0x36: {  	p1 =	seq.s32 s10, $0x1;
	s10 =	sld [smem:$0x3FAC];
	_ =	sdelay $0x3  }
0x37: {  	[smem:$0x3FAC] =	sst s10  }
0x38: {  	s10 =	sld [smem:$0x3FAD]  }
0x39: {  	_ = 	snop;
	(pc) =	sbr.ind lr, $3  }
0x3a: {  	_ = 	snop  }
0x3b: {  	_ = 	snop  }
0x3c: {  	p2 =	seq.s32 s10, $0x1;
	s10 =	sld [smem:$0x3FAC]  }
0x3d: {  	_ =	shalt  }
0x3e: {  	_ =	shalt  }
0x3f: {  	_ =	shalt  }
0x40: {  	_ =	shalt  }
0x41: {  	_ =	shalt  }
0x42: {  	_ =	shalt  }
0x43: {  	_ =	shalt  }
0x44: {  	_ =	shalt  }
0x45: {  	_ =	shalt  }
0x46: {  	_ =	shalt  }
0x47: {  	_ =	shalt  }
0x48: {  	_ =	shalt  }
0x49: {  	_ =	shalt  }
0x4a: {  	_ =	shalt  }
0x4b: {  	_ =	shalt  }
0x4c: {  	_ =	shalt  }
0x4d: {  	_ =	shalt  }
0x4e: {  	_ =	shalt  }
0x4f: {  	_ =	shalt  }
0x50: {  	_ =	shalt  }
0x51: {  	_ =	shalt  }
0x52: {  	_ =	shalt  }
0x53: {  	_ =	shalt  }
0x54: {  	_ =	shalt  }
0x55: {  	_ =	shalt  }
0x56: {  	_ =	shalt  }
0x57: {  	_ =	shalt  }
0x58: {  	_ =	shalt  }
0x59: {  	_ =	shalt  }
0x5a: {  	_ =	shalt  }
0x5b: {  	_ =	shalt  }
0x5c: {  	_ =	shalt  }
0x5d: {  	_ =	shalt  }
0x5e: {  	_ =	shalt  }
0x5f: {  	_ =	shalt  }
0x60: {  	_ =	shalt  }
0x61: {  	_ =	shalt  }
0x62: {  	_ =	shalt  }
0x63: {  	_ =	shalt  }
0x64: {  	_ =	shalt  }
0x65: {  	_ =	shalt  }
0x66: {  	_ =	shalt  }
0x67: {  	_ =	shalt  }
0x68: {  	_ =	shalt  }
0x69: {  	_ =	shalt  }
0x6a: {  	_ =	shalt  }
0x6b: {  	_ =	shalt  }
0x6c: {  	_ =	shalt  }
0x6d: {  	_ =	shalt  }
0x6e: {  	_ =	shalt  }
0x6f: {  	_ =	shalt  }
0x70: {  	_ =	shalt  }
0x71: {  	_ =	shalt  }
0x72: {  	_ =	shalt  }
0x73: {  	_ =	shalt  }
0x74: {  	_ =	shalt  }
0x75: {  	_ =	shalt  }
0x76: {  	_ =	shalt  }
0x77: {  	_ =	shalt  }
0x78: {  	_ =	shalt  }
0x79: {  	_ =	shalt  }
0x7a: {  	_ =	shalt  }
0x7b: {  	_ =	shalt  }
0x7c: {  	_ =	shalt  }
0x7d: {  	_ =	shalt  }
0x7e: {  	_ =	shalt  }
0x7f: {  	_ =	shalt  }
0x80: {  	_ =	shalt  }
0x81: {  	_ =	shalt  }
0x82: {  	_ =	shalt  }
0x83: {  	_ =	shalt  }
0x84: {  	_ =	shalt  }
0x85: {  	_ =	shalt  }
0x86: {  	_ =	shalt  }
0x87: {  	_ =	shalt  }
.Lfunc_end0:
.L_simem_size_0:
called_computation_lowered:
.L_overlay_start_0:
0x88: {  	s2 =	sld [smem:$0x3FD9]  }
0x89: {  	s3 =	sld [smem:$0x3FFE];
	_ =	sdelay $0x1  }
0x8a: {  	s1 =	srdreg.scid  }
0x8b: {  	s0 =	sand.u32 $0x1, s1  }
0x8c: {  	s17 =	sshll.u32 s0, $0xA;
	s2 =	sadd.s32 s3, s2  }
0x8d: {  	s2 =	sadd.s32 s2, s17  }
0x8e: {  	[smem:$0x3FB8] =	sst s2  }
0x8f: {  	_ = 	snop  }
0x90: {  	s2 =	sld [smem:$0x3FC8];
	(tm) =	ssettm $0x1  }
0x91: {  	s18 =	sld [smem:$0x3FFB];
	_ =	sdelay $0x3  }
0x92: {  	_ =	strace s18  }
0x93: {  	s3 =	sld [smem:$0x3FFC];
	_ =	sdelay $0x3  }
0x94: {  	_ =	strace s3  }
0x95: {  	s3 =	sld [smem:$0x3FFD];
	_ =	sdelay $0x3  }
0x96: {  	_ =	strace s3  }
0x97: {  	_ =	strace $0x8FFFFFFF  }
0x98: {  	s19 =	sld [smem:$0x3FDB];
	_ =	sdelay $0x1  }
0x99: {  	s4 =	simm.s32 $_scs_section_size  }
0x9a: {  	s5 =	simm.s32 $_size__tile_overlayer_lowered;
	s6 =	simm.s32 $_tile_overlayer_lowered  }
0x9b: {  	s22 =	simm.s32 $0x1BFF;
	s21 =	sshll.u32 s6, $0x1;
	s3 =	sadd.s32 s4, s19  }
0x9c: {  	s7 =	simm.s32 $0x0;
	s20 =	sshll.u32 s5, $0x1;
	s5 =	sadd.s32 s21, s3  }
0x9d: {  	[timem:s7], [sflag:s22] =	dma.local [hbm:s5], s20  }
0x9e: {  	_ =	swait.ge [sflag:s22], s20  }
0x9f: {  	s4 =	ssub.s32 $0x0, s20;
	[sflag:s22] =	ssyncset.done $0x0  }
0xa0: {  	[sflag:s22] =	ssyncadd.s32 s4;
	_ =	sdelay $0x1  }
0xa1: {  	s23 =	simm.s32 $0x1B8B  }
0xa2: {  	_ =	swait.ge [sflag:s23], $0x1  }
0xa3: {  	[sflag:s23] =	ssyncset.done $0x0  }
0xa4: {  	s25 =	simm.s32 $0x1B8E;
	s24 =	sld [smem:$0x3FFE];
	[sflag:s23] =	ssyncadd.s32 $0xFFFFFFFF  }
0xa5: {  	s26 =	simm.s32 $execute0_lowered;
	[smem:$0x3FD2] =	sst s25  }
0xa6: {  	s5 =	sshll.u32 s26, $0x1;
	_ =	strace $0x80000046;
	[dreg:$0x1] =	wrdreg $0xFFFFFFFF  }
0xa7: {  	s28 =	simm.s32 $_size_execute0_lowered;
	s3 =	sadd.s32 s3, s5;
	[dreg:$0x0] =	wrdreg $0x0  }
0xa8: {  	s5 =	sshll.u32 s28, $0x1;
	[dreg:$0x2] =	wrdreg s3  }
0xa9: {  	[dreg:$0x3] =	wrdreg s5  }
0xaa: {  	[dreg:$0x4] =	wrdreg $0xC0  }
0xab: {  	_ =	task [dreg:s7], $0x5FFFF  }
0xac: {  	[dreg:$0x1] =	wrdreg $0xFFFFFFFF  }
0xad: {  	[dreg:$0x0] =	wrdreg $0x60  }
0xae: {  	[dreg:$0x2] =	wrdreg s24  }
0xaf: {  	[dreg:$0x3] =	wrdreg s2  }
0xb0: {  	[dreg:$0x4] =	wrdreg $0x9  }
0xb1: {  	_ =	task.clear_ibuf [dreg:s7], $0x5FFFF;
	_ =	strace $0x90000046  }
0xb2: {  	s29 =	simm.s32 $0x9;
	_ =	strace $0x80000048  }
0xb3: {  	_ =	swait.ge [sflag:s29], $0x1  }
0xb4: {  	[sflag:s29] =	ssyncadd.s32 $0xFFFFFFFF  }
0xb5: {  	_ =	strace $0x90000048  }
0xb6: {  	_ =	sfence  }
0xb7: {  	s30 =	sld [smem:$0x0];
	_ =	sdelay $0x2  }
0xb8: {  	s31 =	sshll.u32 s1, $0xD;
	s1 =	sshrl.u32 s1, $0x2  }
0xb9: {  	s3 =	sand.u32 $0x4000, s31;
	s1 =	sadd.s32 s1, s30  }
0xba: {  	s0 =	sor.u32 s3, s0;
	s1 =	sshll.u32 s1, $0x11  }
0xbb: {  	s0 =	sor.u32 s1, s0  }
0xbc: {  	s0 =	sadd.s32 $0x8F2B, s0  }
0xbd: {  	[sflag:s0] =	ssyncadd.remote.s32 $0x1  }
0xbe: {  	_ =	sfence.sel $0xFFFF  }
0xbf: {  	[dreg:$0x0] =	wrdreg $0xFFFFFFFF;
	(pc) =	sbr.abs _section_cstart, $3  }
0xc0: {  	[dreg:$0x1] =	wrdreg $0xFFFFFFFF  }
0xc1: {  	_ =	task.clear_ibuf [dreg:s7], $0x2FFFF;
	_ =	strace $0x9FFFFFFF  }
0xc2: {  	(tm) =	ssettm $0x7FFFFFFF  }
0xc3: {  	_ =	shalt  }
tec
execute0_lowered:
.L_overlay_start_1:
0x0: {  	(tag) =	ssettag $0x1  }
0x1: {  	s4 =	rddreg [dreg:$0x0]  }
0x2: {  	s2 =	rddreg [dreg:$0x1]  }
0x3: {  	s0 =	rddreg [dreg:$0x2];
	s3 =	simm.s32 $0x0;
	s5 =	srdreg.scid  }
0x4: {  	s1 =	stileid.u32;
	s13 =	simm.s32 $0x5000;
	s14 =	simm.s32 $0x1  }
0x5: {  	s15 =	simm.s32 $0x2;
	s16 =	simm.s32 $0xC80;
	s25 =	smul.u32 $0xD0000, s1  }
0x6: {  	s17 =	simm.s32 $0x0;
	s7 =	sand.u32 $0x1, s5;
	s29 =	smul.u32 $0x1A000, s1  }
0x7: {  	[smem:$0x7FF] =	sst s3;
	s23 =	sshll.u32 s1, $0x1;
	s28 =	smul.u32 $0x68000, s7  }
0x8: {  	s12 =	sadd.s32 $0x5C00, s4;
	s5 =	sor.u32 s7, s23;
	s30 =	smul.u32 $0xD000, s7  }
0x9: {  	_ =	strace $0x80000047;
	s8 =	ssub.s32 $0x2, s7;
	s9 =	smul.u32 $0x68000, s5  }
0xa: {  	s6 =	sshll.u32 s5, $0x9;
	s10 =	sshrl.u32 s8, $0x1;
	s11 =	smul.u32 $0xD000, s5  }
0xb: {  	s6 =	sadd.s32 s6, s4;
	s24 =	ssub.s32 s8, s10;
	s8 =	sadd.s32 s28, s25  }
0xc: {  	s10 =	sadd.s32 s29, s12;
	s4 =	sadd.s32 $0x1C00, s6;
	s26 =	sshrl.u32 s9, $0x3  }
0xd: {  	s5 =	smax.u32 s24, $0x1;
	s31 =	sadd.s32 s12, s11;
	s8 =	sshrl.u32 s8, $0x3  }
0xe: {  	s9 =	sadd.s32 s30, s10;
	s10 =	simm.s32 $0x3;
	s11 =	simm.s32 $0x1000  }
0xf: {  	s6 =	sadd.s32 s12, s26;
	s7 =	sadd.s32 $0xC800, s31;
	s8 =	sadd.s32 s8, s12  }
0x10: {  	s9 =	sadd.s32 $0x800, s9;
	s12 =	simm.s32 $0x80;
	s6 =	sadd.s32 $0xC000, s6  }
.LBB2_1:
0x11: {  	[tilespmem:s3], [sflag:$0x3] =	stream.linear.gather [hbm4b:s4+s3], $0xD00, $0x38;
	[tilespmem:$0x9000] =	vst v63  }
0x12: {  	_ =	swait.ge [sflag:s10], $0xD00  }
0x13: {  	[sflag:s10] =	ssyncset.done $0x0  }
0x14: {  	[sflag:s10] =	ssyncadd.s32 $0xFFFFF300  }
0x15: {  	[tilespmem:s11], [sflag:$0x1] =	stream.indirect.gather [hbm4b:s2+s12], $0x80, s3, s12, $0xb8;
	[tilespmem:$0x9000] =	vst v63  }
0x16: {  	_ = 	snop  }
0x17: {  	[tilespmem:s13], [sflag:$0x2] =	stream.indirect.gather [hbm4b:s2+s12], $0x80, s12, s12, $0xb8;
	[tilespmem:$0x9000] =	vst v63  }
0x18: {  	_ =	swait.ge [sflag:s14], $0x4000  }
0x19: {  	[sflag:s14] =	ssyncset.done $0x0  }
0x1a: {  	s18 =	sadd.s32 $0x0, s8;
	[sflag:s14] =	ssyncadd.s32 $0xFFFFC000  }
0x1b: {  	[hbm4b:s18+s3] =	stream.linear.scatter [tilespmem:s11], [sflag:$0x3], $0x4000, $0x38;
	[tilespmem:$0x9000] =	vst v63  }
0x1c: {  	_ =	swait.ge [sflag:s10], $0x4000  }
0x1d: {  	[sflag:s10] =	ssyncset.done $0x0  }
0x1e: {  	s30 =	simm.s32 $0x100;
	[sflag:s10] =	ssyncadd.s32 $0xFFFFC000  }
0x1f: {  	[tilespmem:s11], [sflag:$0x1] =	stream.indirect.gather [hbm4b:s2+s12], $0x80, s30, s12, $0xb8;
	[tilespmem:$0x9000] =	vst v63  }
0x20: {  	_ =	swait.ge [sflag:s15], $0x4000  }
0x21: {  	[sflag:s15] =	ssyncset.done $0x0  }
0x22: {  	s31 =	sadd.s32 $0x0, s9;
	[sflag:s15] =	ssyncadd.s32 $0xFFFFC000  }
0x23: {  	[hbm4b:s31+s3] =	stream.linear.scatter [tilespmem:s13], [sflag:$0x3], $0x4000, $0x38;
	[tilespmem:$0x9000] =	vst v63  }
0x24: {  	_ =	swait.ge [sflag:s10], $0x4000  }
0x25: {  	s19 =	simm.s32 $0x80;
	s18 =	simm.s32 $0x1000;
	[sflag:s10] =	ssyncset.done $0x0  }
.LBB2_2:
0x26: {  	p0 =	sne.s32 s18, $0xB000;
	[sflag:s10] =	ssyncadd.s32 $0xFFFFC000;
	s19 =	sadd.s32 $0x100, s19  }
0x27: {  	[tilespmem:s13], [sflag:$0x2] =	stream.indirect.gather [hbm4b:s2+s12], $0x80, s19, s12, $0xb8;
	[tilespmem:$0x9000] =	vst v63  }
0x28: {  	s20 =	smov.u32 s18;
	s18 =	sadd.s32 $0x1000, s18;
	_ =	swait.ge [sflag:s14], $0x4000  }
0x29: {  	[sflag:s14] =	ssyncset.done $0x0  }
0x2a: {  	s21 =	sadd.s32 s20, s8;
	[sflag:s14] =	ssyncadd.s32 $0xFFFFC000  }
0x2b: {  	[hbm4b:s21+s3] =	stream.linear.scatter [tilespmem:s11], [sflag:$0x3], $0x4000, $0x38;
	[tilespmem:$0x9000] =	vst v63  }
0x2c: {  	_ =	swait.ge [sflag:s10], $0x4000  }
0x2d: {  	[sflag:s10] =	ssyncset.done $0x0  }
0x2e: {  	s21 =	sadd.s32 $0x80, s19;
	[sflag:s10] =	ssyncadd.s32 $0xFFFFC000  }
0x2f: {  	[tilespmem:s11], [sflag:$0x1] =	stream.indirect.gather [hbm4b:s2+s12], $0x80, s21, s12, $0xb8;
	[tilespmem:$0x9000] =	vst v63  }
0x30: {  	_ =	swait.ge [sflag:s15], $0x4000  }
.Ltmp0:
0x31: {  	[sflag:s15] =	ssyncset.done $0x0;
	(pc) =	sbr.rel @p0 .LBB2_2-.Ltmp0, $4  }
0x32: {  	s20 =	sadd.s32 s20, s9;
	[sflag:s15] =	ssyncadd.s32 $0xFFFFC000  }
0x33: {  	[hbm4b:s20+s3] =	stream.linear.scatter [tilespmem:s13], [sflag:$0x3], $0x4000, $0x38;
	[tilespmem:$0x9000] =	vst v63  }
0x34: {  	_ =	swait.ge [sflag:s10], $0x4000  }
0x35: {  	[sflag:s10] =	ssyncset.done $0x0  }
0x36: {  	[sflag:s10] =	ssyncadd.s32 $0xFFFFC000  }
0x37: {  	[tilespmem:s13], [sflag:$0x2] =	stream.indirect.gather [hbm4b:s2+s12], $0x80, s16, s12, $0xb8;
	[tilespmem:$0x9000] =	vst v63  }
0x38: {  	_ =	swait.ge [sflag:s14], $0x4000  }
0x39: {  	[sflag:s14] =	ssyncset.done $0x0  }
0x3a: {  	[sflag:s14] =	ssyncadd.s32 $0xFFFFC000  }
0x3b: {  	[hbm4b:s6+s3] =	stream.linear.scatter [tilespmem:s11], [sflag:$0x3], $0x4000, $0x38;
	[tilespmem:$0x9000] =	vst v63  }
0x3c: {  	_ =	swait.ge [sflag:s10], $0x4000  }
0x3d: {  	[sflag:s10] =	ssyncset.done $0x0  }
0x3e: {  	[sflag:s10] =	ssyncadd.s32 $0xFFFFC000  }
0x3f: {  	s17 =	sadd.s32 $0x1, s17;
	_ =	swait.ge [sflag:s15], $0x4000  }
0x40: {  	p0 =	sne.s32 s17, s5;
	[sflag:s15] =	ssyncset.done $0x0  }
.Ltmp1:
0x41: {  	[sflag:s15] =	ssyncadd.s32 $0xFFFFC000;
	(pc) =	sbr.rel @p0 .LBB2_1-.Ltmp1, $4  }
0x42: {  	[hbm4b:s7+s3] =	stream.linear.scatter [tilespmem:s13], [sflag:$0x3], $0x4000, $0x38;
	[tilespmem:$0x9000] =	vst v63  }
0x43: {  	_ =	swait.ge [sflag:s10], $0x4000  }
0x44: {  	[sflag:s10] =	ssyncset.done $0x0  }
0x45: {  	[sflag:s10] =	ssyncadd.s32 $0xFFFFC000  }
0x46: {  	_ =	sfence.sel $0x180000  }
0x47: {  	[bflag:$0x0] =	sbarrier.arrive $0xFFFF  }
0x48: {  	p0 =	sne.s32 s1, $0x0;
	_ =	strace $0x90000047  }
0x49: {  	s0 =	sadd.s32 @!p0 $0x100000, s0;
	[bflag:$0x2] =	sbarrier.arrive $0xFFFF  }
0x4a: {  	[sflag:s0] =	ssyncadd.tile.s32 @!p0 $0x1;
	_ =	shalt  }
.Lfunc_end2:
_tile_overlayer_lowered:
.L_overlay_start_2:
0x4b: {  	(tag) =	ssettag $0x2  }
0x4c: {  	s0 =	rddreg [dreg:$0x0];
	s2 =	stileid.u32  }
0x4d: {  	s1 =	rddreg [dreg:$0x1];
	p0 =	sne.s32 s2, $0x0  }
0x4e: {  	s3 =	rddreg [dreg:$0x2];
	[bflag:$0x3] =	sbarrier.arrive $0xFFFF;
	s2 =	simm.s32 @!p0 $0x1C03  }
0x4f: {  	[timem:s3], [sflag:s2] =	dma.local @!p0 [hbm:s0], s1  }
0x50: {  	s0 =	simm.s32 @!p0 $0x3  }
0x51: {  	_ =	swait.ge @!p0 [sflag:s0], s1  }
0x52: {  	s1 =	ssub.s32 @!p0 $0x0, s1;
	[sflag:s0] =	ssyncset.done @!p0 $0x0  }
0x53: {  	[sflag:s0] =	ssyncadd.s32 @!p0 s1  }
0x54: {  	[bflag:$0x3] =	sbarrier.arrive $0xFFFF  }
0x55: {  	_ =	shalt  }

</sc_bundles>
